<compile_context>
chip_gen: v7x
topology: tpu7x:2x2x1
jax: 0.10.2.dev20260603
libtpu: 0.0.44.dev20260713+nightly
codegen_flags: <defaults>
</compile_context>

<pallas_src>
import functools

import jax
import jax.numpy as jnp
from jax import lax
from jax.experimental import pallas as pl
from jax.experimental.pallas import tpu as pltpu
from jax.experimental.pallas import tpu_sc as plsc

B, I, K, W = 4, 2048, 16, 32
N = B * I * K
NW = 32
PER_W = N // NW
GRP = PER_W // 16
BI_PER_W = PER_W // K
W_PER_B = (B * I) // BI_PER_W // B


def _sc_partials(ll1, la1, pp1, pn1, ind1, m1, il16):
    mesh = plsc.VectorSubcoreMesh(core_axis_name="c", subcore_axis_name="s")

    @functools.partial(
        pl.kernel,
        mesh=mesh,
        compiler_params=pltpu.CompilerParams(needs_layout_passes=False),
        out_type=jax.ShapeDtypeStruct((NW, 5, 16), jnp.float32),
        scratch_types=[
            pltpu.VMEM((PER_W,), jnp.int32),
            pltpu.VMEM((BI_PER_W,), jnp.int32),
            pltpu.VMEM((16,), jnp.int32),
            pltpu.VMEM((PER_W,), jnp.int32),
            pltpu.VMEM((PER_W,), jnp.float32),
            pltpu.VMEM((PER_W,), jnp.float32),
            pltpu.VMEM((PER_W,), jnp.float32),
            pltpu.VMEM((PER_W,), jnp.float32),
            pltpu.VMEM((5, 16), jnp.float32),
            pltpu.SemaphoreType.DMA,
        ],
    )
    def body(ll_h, la_h, pp_h, pn_h, ind_h, m_h, il_h, out_h,
             m_v, ind_v, il_v, idxa, llg, lag, ppg, png, acc_v, sem):
        cid = lax.axis_index("c")
        sid = lax.axis_index("s")
        w = sid * 2 + cid

        pltpu.sync_copy(m_h.at[pl.ds(w * PER_W, PER_W)], m_v)
        pltpu.sync_copy(ind_h.at[pl.ds(w * BI_PER_W, BI_PER_W)], ind_v)
        pltpu.sync_copy(il_h, il_v)

        lane = lax.iota(jnp.int32, 16)
        lane_w = lane * W

        def build(t, carry):
            m = m_v[pl.ds(t * 16, 16)]
            s = plsc.load_gather(ind_v, [jnp.full((16,), t, jnp.int32)])
            im = jnp.maximum(m - s - 1, 0)
            base = (w * PER_W + t * 16) * W
            idxa[pl.ds(t * 16, 16)] = base + lane_w + im
            return carry

        lax.fori_loop(0, GRP, build, 0)

        pltpu.async_copy(ll_h.at[idxa], llg, sem)
        pltpu.async_copy(la_h.at[idxa], lag, sem)
        pltpu.async_copy(pp_h.at[idxa], ppg, sem)
        pltpu.async_copy(pn_h.at[idxa], png, sem)
        pltpu.make_async_copy(ll_h.at[idxa], llg, sem).wait()
        pltpu.make_async_copy(la_h.at[idxa], lag, sem).wait()
        pltpu.make_async_copy(pp_h.at[idxa], ppg, sem).wait()
        pltpu.make_async_copy(pn_h.at[idxa], png, sem).wait()

        ilb = plsc.load_gather(
            il_v, [jnp.full((16,), w // W_PER_B, jnp.int32)])
        i_base = (w % W_PER_B) * BI_PER_W
        zero = jnp.zeros((16,), jnp.float32)
        one = jnp.float32(1.0)
        fzero = jnp.float32(0.0)

        def accum(t, carry):
            a_ll, a_la, a_p, a_cm, a_ci = carry
            m = m_v[pl.ds(t * 16, 16)]
            mm = m >= 0
            mmf = jnp.where(mm, one, fzero)
            c0 = t * 16
            llv = llg[pl.ds(c0, 16)]
            lav = lag[pl.ds(c0, 16)]
            ppv = ppg[pl.ds(c0, 16)]
            pnv = png[pl.ds(c0, 16)]
            pres = jnp.where(mm, ppv, -pnv)
            imf = jnp.where(i_base + t < ilb, one, fzero)
            return (a_ll + llv * mmf, a_la + lav * mmf,
                    a_p + pres * imf, a_cm + mmf, a_ci + imf)

        a_ll, a_la, a_p, a_cm, a_ci = lax.fori_loop(
            0, GRP, accum, (zero, zero, zero, zero, zero))

        acc_v[0] = a_ll
        acc_v[1] = a_la
        acc_v[2] = a_p
        acc_v[3] = a_cm
        acc_v[4] = a_ci
        pltpu.sync_copy(acc_v, out_h.at[w])

    return body(ll1, la1, pp1, pn1, ind1, m1, il16)


def _tc_combine(partials):
    def body(p_ref, o_ref):
        x = p_ref[...]
        s_ll = jnp.sum(x[:, 0, :])
        s_la = jnp.sum(x[:, 1, :])
        s_p = jnp.sum(x[:, 2, :])
        s_cm = jnp.sum(x[:, 3, :])
        s_ci = jnp.sum(x[:, 4, :])
        iot = lax.broadcasted_iota(jnp.int32, (1, 128), 1)
        o_ref[...] = (jnp.where(iot == 0, s_ll / s_cm, 0.0)
                      + jnp.where(iot == 1, s_la / s_cm, 0.0)
                      + jnp.where(iot == 2, s_p / s_ci, 0.0))

    return pl.pallas_call(
        body, out_shape=jax.ShapeDtypeStruct((1, 128), jnp.float32))(partials)


def kernel(loss_labels, loss_amounts, presence_pos, presence_neg,
           indices, matching, idx_lens):
    ll1 = loss_labels.reshape(-1)
    la1 = loss_amounts.reshape(-1)
    pp1 = presence_pos.reshape(-1)
    pn1 = presence_neg.reshape(-1)
    ind1 = indices.reshape(-1)
    m1 = matching.reshape(-1)
    il16 = jnp.pad(idx_lens, (0, 16 - idx_lens.shape[0]))
    partials = _sc_partials(ll1, la1, pp1, pn1, ind1, m1, il16)
    out = _tc_combine(partials)
    return (out[0, 0], out[0, 1], out[0, 2])

# --- scband reference (transcript-rebuilt; emitter-appended) ---
"""Pipeline reference for scband-detection-loss-15796889714699 (READ-ONLY COPY).

The authoritative reference and input builder live on the scoring server;
editing this copy changes nothing except your own understanding.
"""

import jax, jax.numpy as jnp
import numpy as np

B, I, K, W = 4, 2048, 16, 32

def setup_inputs(seed: int = 0) -> dict:
    key = jax.random.key(seed)
    ks = jax.random.split(key, 8)
    loss_labels = jax.random.normal(ks[0], (B, I, K, W), dtype=jnp.float32)
    loss_amounts = jax.random.normal(ks[1], (B, I, K, W), dtype=jnp.float32)
    presence_pos = jax.random.normal(ks[2], (B, I, K, W), dtype=jnp.float32)
    presence_neg = jax.random.normal(ks[3], (B, I, K, W), dtype=jnp.float32)
    indices = jnp.sort(jax.random.randint(ks[4], (B, I), 0, I, dtype=jnp.int32), axis=1)
    offsets = jax.random.randint(ks[5], (B, I, K), 0, W + 1, dtype=jnp.int32)
    # matching index of the target event for each of K predictions; -1 means unmatched.
    matching = jnp.where(offsets == 0, jnp.int32(-1), indices[:, :, None] + offsets)
    idx_lens = jax.random.randint(ks[6], (B,), I // 2, I + 1, dtype=jnp.int32)
    return {
        'loss_labels': loss_labels,
        'loss_amounts': loss_amounts,
        'presence_pos': presence_pos,
        'presence_neg': presence_neg,
        'indices': indices,
        'matching': matching,
        'idx_lens': idx_lens,
    }

def reference(loss_labels, loss_amounts, presence_pos, presence_neg, indices, matching, idx_lens):
    # index_matching = (matching - indices.unsqueeze(2) - 1).clip(min=0)
    index_matching = jnp.clip(matching - indices[:, :, None] - 1, 0, None)
    # losses = {k: v.take_along_dim(index_matching.unsqueeze(3), 3).squeeze(3)}
    def take(v):
        return jnp.take_along_axis(v, index_matching[..., None], axis=3)[..., 0]
    ll = take(loss_labels)
    la = take(loss_amounts)
    pos_presence = take(presence_pos)
    neg_presence = -take(presence_neg)
    matching_mask = matching >= 0
    presence_losses = jnp.where(matching_mask, pos_presence, neg_presence)
    # index_mask = indices.seq_len_mask
    index_mask = (jnp.arange(I)[None, :] < idx_lens[:, None])
    mmf = matching_mask.astype(jnp.float32)
    mm_sum = mmf.sum()
    # losses = {k: v[matching_mask].mean()}
    loss_labels_out = (ll * mmf).sum() / mm_sum
    loss_amounts_out = (la * mmf).sum() / mm_sum
    # losses['_presence'] = presence_losses[index_mask].mean()  (index over (B, I), keeps K dim)
    imf = jnp.broadcast_to(index_mask[:, :, None], (B, I, K)).astype(jnp.float32)
    presence_out = (presence_losses * imf).sum() / imf.sum()
    return (loss_labels_out, loss_amounts_out, presence_out)

if __name__ == "__main__":
    import jax
    _d = setup_inputs()
    print(jax.jit(kernel)(*tuple(_d.values())))

</pallas_src>

<mosaic_0001>
#map = affine_map<(d0, d1) -> (0)>
#map1 = affine_map<(d0, d1) -> (0, 0, 0)>
module attributes {stable_mosaic.version = 14 : i64} {
  func.func @body(%arg0: i32, %arg1: i32, %arg2: memref<4194304xf32, #tpu.memory_space<hbm>>, %arg3: memref<4194304xf32, #tpu.memory_space<hbm>>, %arg4: memref<4194304xf32, #tpu.memory_space<hbm>>, %arg5: memref<4194304xf32, #tpu.memory_space<hbm>>, %arg6: memref<8192xi32, #tpu.memory_space<hbm>>, %arg7: memref<131072xi32, #tpu.memory_space<hbm>>, %arg8: memref<16xi32, #tpu.memory_space<hbm>>, %arg9: memref<32x5x16xf32, #tpu.memory_space<hbm>>, %arg10: memref<4096xi32, #tpu.memory_space<vmem>>, %arg11: memref<256xi32, #tpu.memory_space<vmem>>, %arg12: memref<16xi32, #tpu.memory_space<vmem>>, %arg13: memref<4096xi32, #tpu.memory_space<vmem>>, %arg14: memref<4096xf32, #tpu.memory_space<vmem>>, %arg15: memref<4096xf32, #tpu.memory_space<vmem>>, %arg16: memref<4096xf32, #tpu.memory_space<vmem>>, %arg17: memref<4096xf32, #tpu.memory_space<vmem>>, %arg18: memref<5x16xf32, #tpu.memory_space<vmem>>, %arg19: memref<!tpu.dma_semaphore, #tpu.memory_space<semaphore_mem>>) attributes {dimension_semantics = [#tpu.dimension_semantics<core_parallel>, #tpu.dimension_semantics<subcore_parallel>], iteration_bounds = array<i64: 2, 16>, scalar_prefetch = 0 : i64, scratch_operands = 10 : i64, tpu.core_type = #tpu.core_type<sc_vector_subcore>, window_params = [{transform_indices = #map}, {transform_indices = #map}, {transform_indices = #map}, {transform_indices = #map}, {transform_indices = #map}, {transform_indices = #map}, {transform_indices = #map}, {transform_indices = #map1}]} {
    %mul3A = arith.constant 2 : i32
    %mul3A_0 = arith.muli %arg1, %mul3A : i32
    %add3A = arith.addi %mul3A_0, %arg0 : i32
    %mul3A_1 = arith.constant 4096 : i32
    %mul3A_2 = arith.muli %add3A, %mul3A_1 : i32
    "tpu.region"() ({
      %run_scoped3A = tpu.sem_alloc : memref<!tpu.dma_semaphore, #tpu.memory_space<semaphore_mem>>
      %dma_start3A_88 = tpu.memref_slice %arg7[%mul3A_2] : memref<131072xi32, #tpu.memory_space<hbm>> -> memref<4096xi32, #tpu.memory_space<hbm>>
      %dma_start3A_89 = tpu.memref_slice %arg7[%mul3A_2] : memref<131072xi32, #tpu.memory_space<hbm>> -> memref<4096xi32, #tpu.memory_space<hbm>>
      tpu.enqueue_dma source(%dma_start3A_89 : memref<4096xi32, #tpu.memory_space<hbm>>) target(%arg10 : memref<4096xi32, #tpu.memory_space<vmem>>) target_semaphore(%run_scoped3A : memref<!tpu.dma_semaphore, #tpu.memory_space<semaphore_mem>>)
      %dma_wait3A_90 = tpu.memref_slice %arg7[%mul3A_2] : memref<131072xi32, #tpu.memory_space<hbm>> -> memref<4096xi32, #tpu.memory_space<hbm>>
      %dma_wait3A_91 = tpu.memref_slice %arg7[%mul3A_2] : memref<131072xi32, #tpu.memory_space<hbm>> -> memref<4096xi32, #tpu.memory_space<hbm>>
      tpu.wait_dma2 semaphore(%run_scoped3A : memref<!tpu.dma_semaphore, #tpu.memory_space<semaphore_mem>>) src(%dma_wait3A_91 : memref<4096xi32, #tpu.memory_space<hbm>>) dst(%arg10 : memref<4096xi32, #tpu.memory_space<vmem>>)
      tpu.yield
    }) : () -> ()
    %mul3A_3 = arith.constant 256 : i32
    %mul3A_4 = arith.muli %add3A, %mul3A_3 : i32
    "tpu.region"() ({
      %run_scoped3A = tpu.sem_alloc : memref<!tpu.dma_semaphore, #tpu.memory_space<semaphore_mem>>
      %dma_start3A_88 = tpu.memref_slice %arg6[%mul3A_4] : memref<8192xi32, #tpu.memory_space<hbm>> -> memref<256xi32, #tpu.memory_space<hbm>>
      %dma_start3A_89 = tpu.memref_slice %arg6[%mul3A_4] : memref<8192xi32, #tpu.memory_space<hbm>> -> memref<256xi32, #tpu.memory_space<hbm>>
      tpu.enqueue_dma source(%dma_start3A_89 : memref<256xi32, #tpu.memory_space<hbm>>) target(%arg11 : memref<256xi32, #tpu.memory_space<vmem>>) target_semaphore(%run_scoped3A : memref<!tpu.dma_semaphore, #tpu.memory_space<semaphore_mem>>)
      %dma_wait3A_90 = tpu.memref_slice %arg6[%mul3A_4] : memref<8192xi32, #tpu.memory_space<hbm>> -> memref<256xi32, #tpu.memory_space<hbm>>
      %dma_wait3A_91 = tpu.memref_slice %arg6[%mul3A_4] : memref<8192xi32, #tpu.memory_space<hbm>> -> memref<256xi32, #tpu.memory_space<hbm>>
      tpu.wait_dma2 semaphore(%run_scoped3A : memref<!tpu.dma_semaphore, #tpu.memory_space<semaphore_mem>>) src(%dma_wait3A_91 : memref<256xi32, #tpu.memory_space<hbm>>) dst(%arg11 : memref<256xi32, #tpu.memory_space<vmem>>)
      tpu.yield
    }) : () -> ()
    "tpu.region"() ({
      %run_scoped3A = tpu.sem_alloc : memref<!tpu.dma_semaphore, #tpu.memory_space<semaphore_mem>>
      tpu.enqueue_dma source(%arg8 : memref<16xi32, #tpu.memory_space<hbm>>) target(%arg12 : memref<16xi32, #tpu.memory_space<vmem>>) target_semaphore(%run_scoped3A : memref<!tpu.dma_semaphore, #tpu.memory_space<semaphore_mem>>)
      tpu.wait_dma2 semaphore(%run_scoped3A : memref<!tpu.dma_semaphore, #tpu.memory_space<semaphore_mem>>) src(%arg8 : memref<16xi32, #tpu.memory_space<hbm>>) dst(%arg12 : memref<16xi32, #tpu.memory_space<vmem>>)
      tpu.yield
    }) : () -> ()
    %iota3A = tpu.iota {dimensions = array<i32: 0>} : vector<16xi32>
    %mul3A_5 = arith.constant 32 : i32
    %mul3A_6 = vector.broadcast %mul3A_5 : i32 to vector<16xi32>
    %mul3A_7 = arith.muli %iota3A, %mul3A_6 : vector<16xi32>
    %scan3A = arith.constant 0 : i32
    %scan3A_8 = arith.constant 0 : i32
    %scan3A_9 = arith.constant 256 : i32
    %scan3A_10 = arith.addi %scan3A_8, %scan3A_9 : i32
    %scan3A_11 = arith.constant 1 : i32
    scf.for %scan3A_88 = %scan3A_8 to %scan3A_10 step %scan3A_11  : i32 {
      %mul3A_89 = arith.constant 16 : i32
      %mul3A_90 = arith.muli %scan3A_88, %mul3A_89 : i32
      %get3A = arith.index_cast %mul3A_90 : i32 to index
      %get3A_91 = tpu.vector_load %arg10[%get3A] {strides = array<i32>} : memref<4096xi32, #tpu.memory_space<vmem>>, vector<16xi32>,
      %broadcast_in_dim3A_92 = vector.broadcast %scan3A_88 : i32 to vector<16xi32>
      %gather3A_93 = tpu.vector_load_idx %arg11[%broadcast_in_dim3A_92] : memref<256xi32, #tpu.memory_space<vmem>>[vector<16xi32>], vector<16xi32>,
      %sub3A_94 = arith.subi %get3A_91, %gather3A_93 : vector<16xi32>
      %sub3A_95 = arith.constant 1 : i32
      %sub3A_96 = vector.broadcast %sub3A_95 : i32 to vector<16xi32>
      %sub3A_97 = arith.subi %sub3A_94, %sub3A_96 : vector<16xi32>
      %max3A = arith.constant 0 : i32
      %max3A_98 = vector.broadcast %max3A : i32 to vector<16xi32>
      %max3A_99 = arith.maxsi %sub3A_97, %max3A_98 : vector<16xi32>
      %mul3A_100 = arith.constant 4096 : i32
      %mul3A_101 = arith.muli %add3A, %mul3A_100 : i32
      %mul3A_102 = arith.constant 16 : i32
      %mul3A_103 = arith.muli %scan3A_88, %mul3A_102 : i32
      %add3A_104 = arith.addi %mul3A_101, %mul3A_103 : i32
      %mul3A_105 = arith.constant 32 : i32
      %mul3A_106 = arith.muli %add3A_104, %mul3A_105 : i32
      %add3A_107 = vector.broadcast %mul3A_106 : i32 to vector<16xi32>
      %add3A_108 = arith.addi %add3A_107, %mul3A_7 : vector<16xi32>
      %add3A_109 = arith.addi %add3A_108, %max3A_99 : vector<16xi32>
      %mul3A_110 = arith.constant 16 : i32
      %mul3A_111 = arith.muli %scan3A_88, %mul3A_110 : i32
      %swap3A_112 = arith.index_cast %mul3A_111 : i32 to index
      %swap3A_113 = tpu.vector_load %arg13[%swap3A_112] {strides = array<i32>} : memref<4096xi32, #tpu.memory_space<vmem>>, vector<16xi32>,
      tpu.vector_store %arg13[%swap3A_112], %add3A_109 {strides = array<i32>} : memref<4096xi32, #tpu.memory_space<vmem>>, vector<16xi32>,
    }
    %scan3A_12 = arith.constant 256 : i32
    %dma_start3A = arith.constant 0 : i32
    %dma_start3A_13 = tpu.memref_slice %arg2[%dma_start3A] : memref<4194304xf32, #tpu.memory_space<hbm>> -> memref<4194304xf32, #tpu.memory_space<hbm>>
    tpu.enqueue_indirect_dma source(%dma_start3A_13 : memref<4194304xf32, #tpu.memory_space<hbm>>) target(%arg14 : memref<4096xf32, #tpu.memory_space<vmem>>) offsets(%arg13 : memref<4096xi32, #tpu.memory_space<vmem>>) semaphore(%arg19 : memref<!tpu.dma_semaphore, #tpu.memory_space<semaphore_mem>>)
    %dma_start3A_14 = arith.constant 0 : i32
    %dma_start3A_15 = tpu.memref_slice %arg3[%dma_start3A_14] : memref<4194304xf32, #tpu.memory_space<hbm>> -> memref<4194304xf32, #tpu.memory_space<hbm>>
    tpu.enqueue_indirect_dma source(%dma_start3A_15 : memref<4194304xf32, #tpu.memory_space<hbm>>) target(%arg15 : memref<4096xf32, #tpu.memory_space<vmem>>) offsets(%arg13 : memref<4096xi32, #tpu.memory_space<vmem>>) semaphore(%arg19 : memref<!tpu.dma_semaphore, #tpu.memory_space<semaphore_mem>>)
    %dma_start3A_16 = arith.constant 0 : i32
    %dma_start3A_17 = tpu.memref_slice %arg4[%dma_start3A_16] : memref<4194304xf32, #tpu.memory_space<hbm>> -> memref<4194304xf32, #tpu.memory_space<hbm>>
    tpu.enqueue_indirect_dma source(%dma_start3A_17 : memref<4194304xf32, #tpu.memory_space<hbm>>) target(%arg16 : memref<4096xf32, #tpu.memory_space<vmem>>) offsets(%arg13 : memref<4096xi32, #tpu.memory_space<vmem>>) semaphore(%arg19 : memref<!tpu.dma_semaphore, #tpu.memory_space<semaphore_mem>>)
    %dma_start3A_18 = arith.constant 0 : i32
    %dma_start3A_19 = tpu.memref_slice %arg5[%dma_start3A_18] : memref<4194304xf32, #tpu.memory_space<hbm>> -> memref<4194304xf32, #tpu.memory_space<hbm>>
    tpu.enqueue_indirect_dma source(%dma_start3A_19 : memref<4194304xf32, #tpu.memory_space<hbm>>) target(%arg17 : memref<4096xf32, #tpu.memory_space<vmem>>) offsets(%arg13 : memref<4096xi32, #tpu.memory_space<vmem>>) semaphore(%arg19 : memref<!tpu.dma_semaphore, #tpu.memory_space<semaphore_mem>>)
    %dma_wait3A = arith.constant 0 : i32
    %dma_wait3A_20 = tpu.memref_slice %arg2[%dma_wait3A] : memref<4194304xf32, #tpu.memory_space<hbm>> -> memref<4194304xf32, #tpu.memory_space<hbm>>
    tpu.wait_indirect_dma semaphore(%arg19 : memref<!tpu.dma_semaphore, #tpu.memory_space<semaphore_mem>>) src(%dma_wait3A_20 : memref<4194304xf32, #tpu.memory_space<hbm>>) dst(%arg14 : memref<4096xf32, #tpu.memory_space<vmem>>)
    %dma_wait3A_21 = arith.constant 0 : i32
    %dma_wait3A_22 = tpu.memref_slice %arg3[%dma_wait3A_21] : memref<4194304xf32, #tpu.memory_space<hbm>> -> memref<4194304xf32, #tpu.memory_space<hbm>>
    tpu.wait_indirect_dma semaphore(%arg19 : memref<!tpu.dma_semaphore, #tpu.memory_space<semaphore_mem>>) src(%dma_wait3A_22 : memref<4194304xf32, #tpu.memory_space<hbm>>) dst(%arg15 : memref<4096xf32, #tpu.memory_space<vmem>>)
    %dma_wait3A_23 = arith.constant 0 : i32
    %dma_wait3A_24 = tpu.memref_slice %arg4[%dma_wait3A_23] : memref<4194304xf32, #tpu.memory_space<hbm>> -> memref<4194304xf32, #tpu.memory_space<hbm>>
    tpu.wait_indirect_dma semaphore(%arg19 : memref<!tpu.dma_semaphore, #tpu.memory_space<semaphore_mem>>) src(%dma_wait3A_24 : memref<4194304xf32, #tpu.memory_space<hbm>>) dst(%arg16 : memref<4096xf32, #tpu.memory_space<vmem>>)
    %dma_wait3A_25 = arith.constant 0 : i32
    %dma_wait3A_26 = tpu.memref_slice %arg5[%dma_wait3A_25] : memref<4194304xf32, #tpu.memory_space<hbm>> -> memref<4194304xf32, #tpu.memory_space<hbm>>
    tpu.wait_indirect_dma semaphore(%arg19 : memref<!tpu.dma_semaphore, #tpu.memory_space<semaphore_mem>>) src(%dma_wait3A_26 : memref<4194304xf32, #tpu.memory_space<hbm>>) dst(%arg17 : memref<4096xf32, #tpu.memory_space<vmem>>)
    %jit3A = arith.constant 8 : i32
    %div3A = arith.divsi %add3A, %jit3A : i32
    %sign3A = arith.constant 0 : i32
    %sign3A_27 = arith.cmpi sgt, %add3A, %sign3A : i32
    %sign3A_28 = arith.extui %sign3A_27 : i1 to i32
    %sign3A_29 = arith.constant 0 : i32
    %sign3A_30 = arith.cmpi slt, %add3A, %sign3A_29 : i32
    %sign3A_31 = arith.extui %sign3A_30 : i1 to i32
    %sign3A_32 = arith.subi %sign3A_28, %sign3A_31 : i32
    %sign3A_33 = arith.constant 0 : i32
    %sign3A_34 = arith.cmpi sgt, %jit3A, %sign3A_33 : i32
    %sign3A_35 = arith.extui %sign3A_34 : i1 to i32
    %sign3A_36 = arith.constant 0 : i32
    %sign3A_37 = arith.cmpi slt, %jit3A, %sign3A_36 : i32
    %sign3A_38 = arith.extui %sign3A_37 : i1 to i32
    %sign3A_39 = arith.subi %sign3A_35, %sign3A_38 : i32
    %ne3A = arith.cmpi ne, %sign3A_32, %sign3A_39 : i32
    %rem3A = arith.remsi %add3A, %jit3A : i32
    %ne3A_40 = arith.constant 0 : i32
    %ne3A_41 = arith.cmpi ne, %rem3A, %ne3A_40 : i32
    %and3A = arith.andi %ne3A, %ne3A_41 : i1
    %sub3A = arith.constant 1 : i32
    %sub3A_42 = arith.subi %div3A, %sub3A : i32
    %select_n3A = arith.select %and3A, %sub3A_42, %div3A : i32
    %broadcast_in_dim3A = vector.broadcast %select_n3A : i32 to vector<16xi32>
    %gather3A = tpu.vector_load_idx %arg12[%broadcast_in_dim3A] : memref<16xi32, #tpu.memory_space<vmem>>[vector<16xi32>], vector<16xi32>,
    %jit3A_43 = arith.constant 8 : i32
    %eq3A = arith.constant 0 : i32
    %eq3A_44 = arith.cmpi eq, %jit3A_43, %eq3A : i32
    %jit3A_45 = arith.constant 1 : i32
    %select_n3A_46 = arith.select %eq3A_44, %jit3A_45, %jit3A_43 : i32
    %rem3A_47 = arith.remsi %add3A, %select_n3A_46 : i32
    %ne3A_48 = arith.constant 0 : i32
    %ne3A_49 = arith.cmpi ne, %rem3A_47, %ne3A_48 : i32
    %lt3A = arith.constant 0 : i32
    %lt3A_50 = arith.cmpi slt, %rem3A_47, %lt3A : i32
    %lt3A_51 = arith.constant 0 : i32
    %lt3A_52 = arith.cmpi slt, %select_n3A_46, %lt3A_51 : i32
    %ne3A_53 = arith.xori %lt3A_50, %lt3A_52 : i1
    %and3A_54 = arith.andi %ne3A_53, %ne3A_49 : i1
    %add3A_55 = arith.addi %rem3A_47, %select_n3A_46 : i32
    %select_n3A_56 = arith.select %and3A_54, %add3A_55, %rem3A_47 : i32
    %mul3A_57 = arith.constant 256 : i32
    %mul3A_58 = arith.muli %select_n3A_56, %mul3A_57 : i32
    %broadcast_in_dim3A_59 = arith.constant 0.000000e+00 : f32
    %broadcast_in_dim3A_60 = vector.broadcast %broadcast_in_dim3A_59 : f32 to vector<16xf32>
    %scan3A_61 = arith.constant 1.000000e+00 : f32
    %scan3A_62 = arith.constant 0.000000e+00 : f32
    %scan3A_63 = arith.constant 0 : i32
    %scan3A_64 = arith.constant 256 : i32
    %scan3A_65 = arith.addi %scan3A_63, %scan3A_64 : i32
    %scan3A_66 = arith.constant 1 : i32
    %scan3A_67:5 = scf.for %scan3A_88 = %scan3A_63 to %scan3A_65 step %scan3A_66 iter_args(%scan3A_89 = %broadcast_in_dim3A_60, %scan3A_90 = %broadcast_in_dim3A_60, %scan3A_91 = %broadcast_in_dim3A_60, %scan3A_92 = %broadcast_in_dim3A_60, %scan3A_93 = %broadcast_in_dim3A_60) -> (vector<16xf32>, vector<16xf32>, vector<16xf32>, vector<16xf32>, vector<16xf32>)  : i32 {
      %mul3A_94 = arith.constant 16 : i32
      %mul3A_95 = arith.muli %scan3A_88, %mul3A_94 : i32
      %get3A = arith.index_cast %mul3A_95 : i32 to index
      %get3A_96 = tpu.vector_load %arg10[%get3A] {strides = array<i32>} : memref<4096xi32, #tpu.memory_space<vmem>>, vector<16xi32>,
      %ge3A = arith.constant 0 : i32
      %ge3A_97 = vector.broadcast %ge3A : i32 to vector<16xi32>
      %ge3A_98 = arith.cmpi sge, %get3A_96, %ge3A_97 : vector<16xi32>
      %broadcast_in_dim3A_99 = vector.broadcast %scan3A_61 : f32 to vector<16xf32>
      %broadcast_in_dim3A_100 = vector.broadcast %scan3A_62 : f32 to vector<16xf32>
      %select_n3A_101 = arith.select %ge3A_98, %broadcast_in_dim3A_99, %broadcast_in_dim3A_100 : vector<16xi1>, vector<16xf32>
      %mul3A_102 = arith.constant 16 : i32
      %mul3A_103 = arith.muli %scan3A_88, %mul3A_102 : i32
      %get3A_104 = arith.index_cast %mul3A_103 : i32 to index
      %get3A_105 = tpu.vector_load %arg14[%get3A_104] {strides = array<i32>} : memref<4096xf32, #tpu.memory_space<vmem>>, vector<16xf32>,
      %get3A_106 = arith.index_cast %mul3A_103 : i32 to index
      %get3A_107 = tpu.vector_load %arg15[%get3A_106] {strides = array<i32>} : memref<4096xf32, #tpu.memory_space<vmem>>, vector<16xf32>,
      %get3A_108 = arith.index_cast %mul3A_103 : i32 to index
      %get3A_109 = tpu.vector_load %arg16[%get3A_108] {strides = array<i32>} : memref<4096xf32, #tpu.memory_space<vmem>>, vector<16xf32>,
      %get3A_110 = arith.index_cast %mul3A_103 : i32 to index
      %get3A_111 = tpu.vector_load %arg17[%get3A_110] {strides = array<i32>} : memref<4096xf32, #tpu.memory_space<vmem>>, vector<16xf32>,
      %neg3A = arith.constant 0.000000e+00 : f32
      %neg3A_112 = vector.broadcast %neg3A : f32 to vector<16xf32>
      %neg3A_113 = arith.subf %neg3A_112, %get3A_111 : vector<16xf32>
      %select_n3A_114 = arith.select %ge3A_98, %get3A_109, %neg3A_113 : vector<16xi1>, vector<16xf32>
      %add3A_115 = arith.addi %mul3A_58, %scan3A_88 : i32
      %lt3A_116 = vector.broadcast %add3A_115 : i32 to vector<16xi32>
      %lt3A_117 = arith.cmpi slt, %lt3A_116, %gather3A : vector<16xi32>
      %broadcast_in_dim3A_118 = vector.broadcast %scan3A_61 : f32 to vector<16xf32>
      %broadcast_in_dim3A_119 = vector.broadcast %scan3A_62 : f32 to vector<16xf32>
      %select_n3A_120 = arith.select %lt3A_117, %broadcast_in_dim3A_118, %broadcast_in_dim3A_119 : vector<16xi1>, vector<16xf32>
      %mul3A_121 = arith.mulf %get3A_105, %select_n3A_101 : vector<16xf32>
      %add3A_122 = arith.addf %scan3A_89, %mul3A_121 : vector<16xf32>
      %mul3A_123 = arith.mulf %get3A_107, %select_n3A_101 : vector<16xf32>
      %add3A_124 = arith.addf %scan3A_90, %mul3A_123 : vector<16xf32>
      %mul3A_125 = arith.mulf %select_n3A_114, %select_n3A_120 : vector<16xf32>
      %add3A_126 = arith.addf %scan3A_91, %mul3A_125 : vector<16xf32>
      %add3A_127 = arith.addf %scan3A_92, %select_n3A_101 : vector<16xf32>
      %add3A_128 = arith.addf %scan3A_93, %select_n3A_120 : vector<16xf32>
      scf.yield %add3A_122, %add3A_124, %add3A_126, %add3A_127, %add3A_128 : vector<16xf32>, vector<16xf32>, vector<16xf32>, vector<16xf32>, vector<16xf32>
    }
    %scan3A_68 = arith.constant 256 : i32
    %swap3A = arith.constant 0 : i32
    %swap3A_69 = arith.index_cast %swap3A : i32 to index
    %swap3A_70 = arith.constant 0 : index
    %swap3A_71 = tpu.vector_load %arg18[%swap3A_69, %swap3A_70] {strides = array<i32>} : memref<5x16xf32, #tpu.memory_space<vmem>>, vector<16xf32>,
    tpu.vector_store %arg18[%swap3A_69, %swap3A_70], %scan3A_67#0 {strides = array<i32>} : memref<5x16xf32, #tpu.memory_space<vmem>>, vector<16xf32>,
    %swap3A_72 = arith.constant 1 : i32
    %swap3A_73 = arith.index_cast %swap3A_72 : i32 to index
    %swap3A_74 = arith.constant 0 : index
    %swap3A_75 = tpu.vector_load %arg18[%swap3A_73, %swap3A_74] {strides = array<i32>} : memref<5x16xf32, #tpu.memory_space<vmem>>, vector<16xf32>,
    tpu.vector_store %arg18[%swap3A_73, %swap3A_74], %scan3A_67#1 {strides = array<i32>} : memref<5x16xf32, #tpu.memory_space<vmem>>, vector<16xf32>,
    %swap3A_76 = arith.constant 2 : i32
    %swap3A_77 = arith.index_cast %swap3A_76 : i32 to index
    %swap3A_78 = arith.constant 0 : index
    %swap3A_79 = tpu.vector_load %arg18[%swap3A_77, %swap3A_78] {strides = array<i32>} : memref<5x16xf32, #tpu.memory_space<vmem>>, vector<16xf32>,
    tpu.vector_store %arg18[%swap3A_77, %swap3A_78], %scan3A_67#2 {strides = array<i32>} : memref<5x16xf32, #tpu.memory_space<vmem>>, vector<16xf32>,
    %swap3A_80 = arith.constant 3 : i32
    %swap3A_81 = arith.index_cast %swap3A_80 : i32 to index
    %swap3A_82 = arith.constant 0 : index
    %swap3A_83 = tpu.vector_load %arg18[%swap3A_81, %swap3A_82] {strides = array<i32>} : memref<5x16xf32, #tpu.memory_space<vmem>>, vector<16xf32>,
    tpu.vector_store %arg18[%swap3A_81, %swap3A_82], %scan3A_67#3 {strides = array<i32>} : memref<5x16xf32, #tpu.memory_space<vmem>>, vector<16xf32>,
    %swap3A_84 = arith.constant 4 : i32
    %swap3A_85 = arith.index_cast %swap3A_84 : i32 to index
    %swap3A_86 = arith.constant 0 : index
    %swap3A_87 = tpu.vector_load %arg18[%swap3A_85, %swap3A_86] {strides = array<i32>} : memref<5x16xf32, #tpu.memory_space<vmem>>, vector<16xf32>,
    tpu.vector_store %arg18[%swap3A_85, %swap3A_86], %scan3A_67#4 {strides = array<i32>} : memref<5x16xf32, #tpu.memory_space<vmem>>, vector<16xf32>,
    "tpu.region"() ({
      %run_scoped3A = tpu.sem_alloc : memref<!tpu.dma_semaphore, #tpu.memory_space<semaphore_mem>>
      %dma_start3A_88 = arith.constant 0 : i32
      %dma_start3A_89 = arith.constant 0 : i32
      %dma_start3A_90 = tpu.memref_slice %arg9[%add3A, %dma_start3A_88, %dma_start3A_89] : memref<32x5x16xf32, #tpu.memory_space<hbm>> -> memref<1x5x16xf32, #tpu.memory_space<hbm>>
      %dma_start3A_91 = tpu.memref_squeeze %dma_start3A_90 : memref<1x5x16xf32, #tpu.memory_space<hbm>> -> memref<5x16xf32, #tpu.memory_space<hbm>>
      %dma_start3A_92 = arith.constant 0 : i32
      %dma_start3A_93 = arith.constant 0 : i32
      %dma_start3A_94 = tpu.memref_slice %arg9[%add3A, %dma_start3A_92, %dma_start3A_93] : memref<32x5x16xf32, #tpu.memory_space<hbm>> -> memref<1x5x16xf32, #tpu.memory_space<hbm>>
      %dma_start3A_95 = tpu.memref_squeeze %dma_start3A_94 : memref<1x5x16xf32, #tpu.memory_space<hbm>> -> memref<5x16xf32, #tpu.memory_space<hbm>>
      tpu.enqueue_dma source(%arg18 : memref<5x16xf32, #tpu.memory_space<vmem>>) target(%dma_start3A_95 : memref<5x16xf32, #tpu.memory_space<hbm>>) target_semaphore(%run_scoped3A : memref<!tpu.dma_semaphore, #tpu.memory_space<semaphore_mem>>)
      %dma_wait3A_96 = arith.constant 0 : i32
      %dma_wait3A_97 = arith.constant 0 : i32
      %dma_wait3A_98 = tpu.memref_slice %arg9[%add3A, %dma_wait3A_96, %dma_wait3A_97] : memref<32x5x16xf32, #tpu.memory_space<hbm>> -> memref<1x5x16xf32, #tpu.memory_space<hbm>>
      %dma_wait3A_99 = tpu.memref_squeeze %dma_wait3A_98 : memref<1x5x16xf32, #tpu.memory_space<hbm>> -> memref<5x16xf32, #tpu.memory_space<hbm>>
      %dma_wait3A_100 = arith.constant 0 : i32
      %dma_wait3A_101 = arith.constant 0 : i32
      %dma_wait3A_102 = tpu.memref_slice %arg9[%add3A, %dma_wait3A_100, %dma_wait3A_101] : memref<32x5x16xf32, #tpu.memory_space<hbm>> -> memref<1x5x16xf32, #tpu.memory_space<hbm>>
      %dma_wait3A_103 = tpu.memref_squeeze %dma_wait3A_102 : memref<1x5x16xf32, #tpu.memory_space<hbm>> -> memref<5x16xf32, #tpu.memory_space<hbm>>
      tpu.wait_dma2 semaphore(%run_scoped3A : memref<!tpu.dma_semaphore, #tpu.memory_space<semaphore_mem>>) src(%arg18 : memref<5x16xf32, #tpu.memory_space<vmem>>) dst(%dma_wait3A_103 : memref<5x16xf32, #tpu.memory_space<hbm>>)
      tpu.yield
    }) : () -> ()
    return
  }
}

module attributes {stable_mosaic.version = 14 : i64} {
  func.func @body(%arg0: memref<32x5x16xf32, #tpu.memory_space<vmem>>, %arg1: memref<1x128xf32, #tpu.memory_space<vmem>>) attributes {dimension_semantics = [], scalar_prefetch = 0 : i64, scratch_operands = 0 : i64, tpu.core_type = #tpu.core_type<tc>} {
    %get3A = arith.constant 0 : index
    %get3A_0 = arith.constant 0 : index
    %get3A_1 = arith.constant 0 : index
    %get3A_2 = vector.load %arg0[%get3A, %get3A_0, %get3A_1] : memref<32x5x16xf32, #tpu.memory_space<vmem>>, vector<32x5x16xf32>
    %slice3A = vector.extract_strided_slice %get3A_2 {offsets = [0, 0, 0], sizes = [32, 1, 16], strides = [1, 1, 1]} : vector<32x5x16xf32> to vector<32x1x16xf32>
    %squeeze3A = vector.shape_cast %slice3A : vector<32x1x16xf32> to vector<32x16xf32>
    %reduce_sum3A = vector.shape_cast %squeeze3A : vector<32x16xf32> to vector<1x32x16xf32>
    %reduce_sum3A_3 = arith.constant dense<0.000000e+00> : vector<1xf32>
    %reduce_sum3A_4 = vector.multi_reduction <add>, %reduce_sum3A, %reduce_sum3A_3 [1, 2] : vector<1x32x16xf32> to vector<1xf32>
    %reduce_sum3A_5 = vector.shape_cast %reduce_sum3A_4 : vector<1xf32> to vector<1x1x1xf32>
    %reduce_sum3A_6 = vector.extract %reduce_sum3A_5[0, 0, 0] : f32 from vector<1x1x1xf32>
    %slice3A_7 = vector.extract_strided_slice %get3A_2 {offsets = [0, 1, 0], sizes = [32, 1, 16], strides = [1, 1, 1]} : vector<32x5x16xf32> to vector<32x1x16xf32>
    %squeeze3A_8 = vector.shape_cast %slice3A_7 : vector<32x1x16xf32> to vector<32x16xf32>
    %reduce_sum3A_9 = vector.shape_cast %squeeze3A_8 : vector<32x16xf32> to vector<1x32x16xf32>
    %reduce_sum3A_10 = arith.constant dense<0.000000e+00> : vector<1xf32>
    %reduce_sum3A_11 = vector.multi_reduction <add>, %reduce_sum3A_9, %reduce_sum3A_10 [1, 2] : vector<1x32x16xf32> to vector<1xf32>
    %reduce_sum3A_12 = vector.shape_cast %reduce_sum3A_11 : vector<1xf32> to vector<1x1x1xf32>
    %reduce_sum3A_13 = vector.extract %reduce_sum3A_12[0, 0, 0] : f32 from vector<1x1x1xf32>
    %slice3A_14 = vector.extract_strided_slice %get3A_2 {offsets = [0, 2, 0], sizes = [32, 1, 16], strides = [1, 1, 1]} : vector<32x5x16xf32> to vector<32x1x16xf32>
    %squeeze3A_15 = vector.shape_cast %slice3A_14 : vector<32x1x16xf32> to vector<32x16xf32>
    %reduce_sum3A_16 = vector.shape_cast %squeeze3A_15 : vector<32x16xf32> to vector<1x32x16xf32>
    %reduce_sum3A_17 = arith.constant dense<0.000000e+00> : vector<1xf32>
    %reduce_sum3A_18 = vector.multi_reduction <add>, %reduce_sum3A_16, %reduce_sum3A_17 [1, 2] : vector<1x32x16xf32> to vector<1xf32>
    %reduce_sum3A_19 = vector.shape_cast %reduce_sum3A_18 : vector<1xf32> to vector<1x1x1xf32>
    %reduce_sum3A_20 = vector.extract %reduce_sum3A_19[0, 0, 0] : f32 from vector<1x1x1xf32>
    %slice3A_21 = vector.extract_strided_slice %get3A_2 {offsets = [0, 3, 0], sizes = [32, 1, 16], strides = [1, 1, 1]} : vector<32x5x16xf32> to vector<32x1x16xf32>
    %squeeze3A_22 = vector.shape_cast %slice3A_21 : vector<32x1x16xf32> to vector<32x16xf32>
    %reduce_sum3A_23 = vector.shape_cast %squeeze3A_22 : vector<32x16xf32> to vector<1x32x16xf32>
    %reduce_sum3A_24 = arith.constant dense<0.000000e+00> : vector<1xf32>
    %reduce_sum3A_25 = vector.multi_reduction <add>, %reduce_sum3A_23, %reduce_sum3A_24 [1, 2] : vector<1x32x16xf32> to vector<1xf32>
    %reduce_sum3A_26 = vector.shape_cast %reduce_sum3A_25 : vector<1xf32> to vector<1x1x1xf32>
    %reduce_sum3A_27 = vector.extract %reduce_sum3A_26[0, 0, 0] : f32 from vector<1x1x1xf32>
    %slice3A_28 = vector.extract_strided_slice %get3A_2 {offsets = [0, 4, 0], sizes = [32, 1, 16], strides = [1, 1, 1]} : vector<32x5x16xf32> to vector<32x1x16xf32>
    %squeeze3A_29 = vector.shape_cast %slice3A_28 : vector<32x1x16xf32> to vector<32x16xf32>
    %reduce_sum3A_30 = vector.shape_cast %squeeze3A_29 : vector<32x16xf32> to vector<1x32x16xf32>
    %reduce_sum3A_31 = arith.constant dense<0.000000e+00> : vector<1xf32>
    %reduce_sum3A_32 = vector.multi_reduction <add>, %reduce_sum3A_30, %reduce_sum3A_31 [1, 2] : vector<1x32x16xf32> to vector<1xf32>
    %reduce_sum3A_33 = vector.shape_cast %reduce_sum3A_32 : vector<1xf32> to vector<1x1x1xf32>
    %reduce_sum3A_34 = vector.extract %reduce_sum3A_33[0, 0, 0] : f32 from vector<1x1x1xf32>
    %iota3A = tpu.iota {dimensions = array<i32: 1>} : vector<1x128xi32>
    %eq3A = arith.constant 0 : i32
    %eq3A_35 = vector.broadcast %eq3A : i32 to vector<1x128xi32>
    %eq3A_36 = arith.cmpi eq, %iota3A, %eq3A_35 : vector<1x128xi32>
    %div3A = arith.divf %reduce_sum3A_6, %reduce_sum3A_27 : f32
    %jit3A = arith.constant 0.000000e+00 : f32
    %broadcast_in_dim3A = vector.broadcast %div3A : f32 to vector<1x128xf32>
    %broadcast_in_dim3A_37 = vector.broadcast %jit3A : f32 to vector<1x128xf32>
    %select_n3A = arith.select %eq3A_36, %broadcast_in_dim3A, %broadcast_in_dim3A_37 : vector<1x128xi1>, vector<1x128xf32>
    %eq3A_38 = arith.constant 1 : i32
    %eq3A_39 = vector.broadcast %eq3A_38 : i32 to vector<1x128xi32>
    %eq3A_40 = arith.cmpi eq, %iota3A, %eq3A_39 : vector<1x128xi32>
    %div3A_41 = arith.divf %reduce_sum3A_13, %reduce_sum3A_27 : f32
    %jit3A_42 = arith.constant 0.000000e+00 : f32
    %broadcast_in_dim3A_43 = vector.broadcast %div3A_41 : f32 to vector<1x128xf32>
    %broadcast_in_dim3A_44 = vector.broadcast %jit3A_42 : f32 to vector<1x128xf32>
    %select_n3A_45 = arith.select %eq3A_40, %broadcast_in_dim3A_43, %broadcast_in_dim3A_44 : vector<1x128xi1>, vector<1x128xf32>
    %add3A = arith.addf %select_n3A, %select_n3A_45 : vector<1x128xf32>
    %eq3A_46 = arith.constant 2 : i32
    %eq3A_47 = vector.broadcast %eq3A_46 : i32 to vector<1x128xi32>
    %eq3A_48 = arith.cmpi eq, %iota3A, %eq3A_47 : vector<1x128xi32>
    %div3A_49 = arith.divf %reduce_sum3A_20, %reduce_sum3A_34 : f32
    %jit3A_50 = arith.constant 0.000000e+00 : f32
    %broadcast_in_dim3A_51 = vector.broadcast %div3A_49 : f32 to vector<1x128xf32>
    %broadcast_in_dim3A_52 = vector.broadcast %jit3A_50 : f32 to vector<1x128xf32>
    %select_n3A_53 = arith.select %eq3A_48, %broadcast_in_dim3A_51, %broadcast_in_dim3A_52 : vector<1x128xi1>, vector<1x128xf32>
    %add3A_54 = arith.addf %add3A, %select_n3A_53 : vector<1x128xf32>
    %swap3A = arith.constant 0 : index
    %swap3A_55 = arith.constant 0 : index
    %swap3A_56 = vector.load %arg1[%swap3A, %swap3A_55] : memref<1x128xf32, #tpu.memory_space<vmem>>, vector<1x128xf32>
    tpu.vector_store %arg1[%swap3A, %swap3A_55], %add3A_54 {strides = array<i32>} : memref<1x128xf32, #tpu.memory_space<vmem>>, vector<1x128xf32>,
    return
  }
}

</mosaic_0001>

<sc_bundles>
// kernel: kernel.4.cloned.1.call-start
scs
__scs_entry_jumppad:
0x0: {  	(pc) =	sbr.rel $0x88, $3  }
0x1: {  	(tag) =	ssettag $0x0;
	lr =	simm.s32 $0x1  }
0x2: {  	[smem:$0x3F9A] =	sst lr;
	_ =	strace $0xD0000000  }
0x3: {  	_ = 	snop  }
0x4: {  	_ = 	snop  }
0x5: {  	_ = 	snop  }
0x6: {  	_ = 	snop  }
0x7: {  	_ = 	snop  }
__scs_overlays_trampoline_lowered:
0x8: {  	[smem:$0x3FA9] =	sst s0  }
0x9: {  	[smem:$0x3FAA] =	sst s1  }
0xa: {  	[smem:$0x3FAB] =	sst s2  }
0xb: {  	[smem:$0x3FAC] =	sst s3  }
0xc: {  	[smem:$0x3FAD] =	sst s4  }
0xd: {  	[smem:$0x3FAE] =	sst s5  }
0xe: {  	[smem:$0x3FAF] =	sst s6  }
0xf: {  	[smem:$0x3FB0] =	sst s7  }
0x10: {  	[smem:$0x3FB1] =	sst s8  }
0x11: {  	[smem:$0x3FB2] =	sst s9;
	s0 =	simm.s32 @!p0 $0x0  }
0x12: {  	s1 =	sld [smem:$0x3F98];
	s0 =	simm.s32 @p0 $0x1  }
0x13: {  	[smem:$0x3FB3] =	sst s0;
	s0 =	simm.s32 @!p1 $0x0  }
0x14: {  	s2 =	sld [smem:$0x3F97];
	s0 =	simm.s32 @p1 $0x1  }
0x15: {  	[smem:$0x3FB4] =	sst s0;
	s0 =	simm.s32 @!p2 $0x0  }
0x16: {  	s3 =	sld [smem:$0x3FDB];
	s0 =	simm.s32 @p2 $0x1  }
0x17: {  	s4 =	simm.s32 $0x1BF5;
	[smem:$0x3FB6] =	sst s0  }
0x18: {  	s0 =	sld [smem:$0x3F99];
	_ =	swait.ge [sflag:s4], $0x0  }
0x19: {  	s7 =	sld [smem:$0x3F9A]  }
0x1a: {  	s8 =	sadd.s32 $0xFFFFE003, lr  }
0x1b: {  	s9 =	sadd.s32 $0xFFFFFEF7, lr;
	s5 =	simm.s32 $0xFFFFFFFF;
	p2 =	slt.u32 s8, $0xFFFFF086  }
0x1c: {  	p1 =	slt.u32 s9, $0xF7A;
	s5 =	simm.s32 @!p2 $0x0  }
0x1d: {  	s5 =	simm.s32 @p1 $0x1;
	p0 =	seq.s32 s7, s2  }
0x1e: {  	s7 =	smul.u32 @!p0 $0xF7A, s2;
	p2 =	seq.s32 @!p0 s5, $0x0  }
0x1f: {  	s9 =	smul.u32 $0xF7A, s1;
	s8 =	simm.s32 @!p0 $0x1BF5;
	p2 =	por !p2, p0  }
0x20: {  	[sflag:s8] =	ssyncset.s32 @!p0 $0xFFFFF086;
	s6 =	sadd.s32 @!p0 s3, s7;
	s7 =	simm.s32 @!p0 $0x108  }
0x21: {  	s3 =	sadd.s32 s3, s9;
	s6 =	sadd.s32 @!p0 $0x88, s6;
	s7 =	simm.s32 @p2 $0x1082  }
0x22: {  	[simem:s7], [sflag:s8] =	dma.local @!p0 [hbm:s6], $0xF7A  }
0x23: {  	s9 =	sor.u32 $0xD0000000, s2;
	s6 =	simm.s32 $0x108;
	_ =	swait.ge @!p0 [sflag:s8], $0x0  }
0x24: {  	s3 =	sadd.s32 $0x88, s3;
	s6 =	simm.s32 @!p1 $0x1082;
	[sflag:s4] =	ssyncset.s32 $0xFFFFF086  }
0x25: {  	[simem:s6], [sflag:s4] =	dma.local [hbm:s3], $0xF7A  }
0x26: {  	[smem:$0x3F9A] =	sst s1;
	(tag) =	ssettag s2;
	_ =	strace s9  }
0x27: {  	s1 =	sld [smem:$0x3FAA]  }
0x28: {  	s2 =	sld [smem:$0x3FAB]  }
0x29: {  	s4 =	sld [smem:$0x3FAD]  }
0x2a: {  	p0 =	seq.s32 s5, $0x0;
	s5 =	sld [smem:$0x3FAE]  }
0x2b: {  	s6 =	sld [smem:$0x3FAF]  }
0x2c: {  	s7 =	sld [smem:$0x3FB0]  }
0x2d: {  	s3 =	simm.s32 $0x108;
	s8 =	sld [smem:$0x3FB1]  }
0x2e: {  	s3 =	simm.s32 @!p0 $0x1082;
	s9 =	sld [smem:$0x3FB2]  }
0x2f: {  	lr =	sadd.s32 s0, s3;
	s0 =	sld [smem:$0x3FA9]  }
0x30: {  	s3 =	sld [smem:$0x3FAC]  }
0x31: {  	[smem:$0x3FB5] =	sst s10  }
0x32: {  	s10 =	sld [smem:$0x3FB3];
	_ =	sdelay $0x3  }
0x33: {  	p0 =	seq.s32 s10, $0x1;
	s10 =	sld [smem:$0x3FB5];
	_ =	sdelay $0x3  }
0x34: {  	[smem:$0x3FB5] =	sst s10  }
0x35: {  	s10 =	sld [smem:$0x3FB4];
	_ =	sdelay $0x3  }
0x36: {  	p1 =	seq.s32 s10, $0x1;
	s10 =	sld [smem:$0x3FB5];
	_ =	sdelay $0x3  }
0x37: {  	[smem:$0x3FB5] =	sst s10  }
0x38: {  	s10 =	sld [smem:$0x3FB6]  }
0x39: {  	_ = 	snop;
	(pc) =	sbr.ind lr, $3  }
0x3a: {  	_ = 	snop  }
0x3b: {  	_ = 	snop  }
0x3c: {  	p2 =	seq.s32 s10, $0x1;
	s10 =	sld [smem:$0x3FB5]  }
0x3d: {  	_ =	shalt  }
0x3e: {  	_ =	shalt  }
0x3f: {  	_ =	shalt  }
0x40: {  	_ =	shalt  }
0x41: {  	_ =	shalt  }
0x42: {  	_ =	shalt  }
0x43: {  	_ =	shalt  }
0x44: {  	_ =	shalt  }
0x45: {  	_ =	shalt  }
0x46: {  	_ =	shalt  }
0x47: {  	_ =	shalt  }
0x48: {  	_ =	shalt  }
0x49: {  	_ =	shalt  }
0x4a: {  	_ =	shalt  }
0x4b: {  	_ =	shalt  }
0x4c: {  	_ =	shalt  }
0x4d: {  	_ =	shalt  }
0x4e: {  	_ =	shalt  }
0x4f: {  	_ =	shalt  }
0x50: {  	_ =	shalt  }
0x51: {  	_ =	shalt  }
0x52: {  	_ =	shalt  }
0x53: {  	_ =	shalt  }
0x54: {  	_ =	shalt  }
0x55: {  	_ =	shalt  }
0x56: {  	_ =	shalt  }
0x57: {  	_ =	shalt  }
0x58: {  	_ =	shalt  }
0x59: {  	_ =	shalt  }
0x5a: {  	_ =	shalt  }
0x5b: {  	_ =	shalt  }
0x5c: {  	_ =	shalt  }
0x5d: {  	_ =	shalt  }
0x5e: {  	_ =	shalt  }
0x5f: {  	_ =	shalt  }
0x60: {  	_ =	shalt  }
0x61: {  	_ =	shalt  }
0x62: {  	_ =	shalt  }
0x63: {  	_ =	shalt  }
0x64: {  	_ =	shalt  }
0x65: {  	_ =	shalt  }
0x66: {  	_ =	shalt  }
0x67: {  	_ =	shalt  }
0x68: {  	_ =	shalt  }
0x69: {  	_ =	shalt  }
0x6a: {  	_ =	shalt  }
0x6b: {  	_ =	shalt  }
0x6c: {  	_ =	shalt  }
0x6d: {  	_ =	shalt  }
0x6e: {  	_ =	shalt  }
0x6f: {  	_ =	shalt  }
0x70: {  	_ =	shalt  }
0x71: {  	_ =	shalt  }
0x72: {  	_ =	shalt  }
0x73: {  	_ =	shalt  }
0x74: {  	_ =	shalt  }
0x75: {  	_ =	shalt  }
0x76: {  	_ =	shalt  }
0x77: {  	_ =	shalt  }
0x78: {  	_ =	shalt  }
0x79: {  	_ =	shalt  }
0x7a: {  	_ =	shalt  }
0x7b: {  	_ =	shalt  }
0x7c: {  	_ =	shalt  }
0x7d: {  	_ =	shalt  }
0x7e: {  	_ =	shalt  }
0x7f: {  	_ =	shalt  }
0x80: {  	_ =	shalt  }
0x81: {  	_ =	shalt  }
0x82: {  	_ =	shalt  }
0x83: {  	_ =	shalt  }
0x84: {  	_ =	shalt  }
0x85: {  	_ =	shalt  }
0x86: {  	_ =	shalt  }
0x87: {  	_ =	shalt  }
.Lfunc_end0:
.L_simem_size_0:
called_computation_lowered:
.L_overlay_start_0:
0x88: {  	s2 =	sld [smem:$0x3FD9]  }
0x89: {  	s3 =	sld [smem:$0x3FFE];
	_ =	sdelay $0x1  }
0x8a: {  	s1 =	srdreg.scid  }
0x8b: {  	s0 =	sand.u32 $0x1, s1  }
0x8c: {  	s14 =	sshll.u32 s0, $0xA;
	s2 =	sadd.s32 s3, s2  }
0x8d: {  	s2 =	sadd.s32 s2, s14  }
0x8e: {  	[smem:$0x3FC1] =	sst s2  }
0x8f: {  	_ = 	snop  }
0x90: {  	s2 =	sld [smem:$0x3FD0];
	_ =	sdelay $0x2  }
0x91: {  	s15 =	simm.s32 $0xA;
	s4 =	simm.s32 $0x10  }
0x92: {  	[smem:s4], [sflag:s15] =	dma.local [hbm:s2], $0x1  }
0x93: {  	_ =	swait.eq [sflag:s15], $0x1  }
0x94: {  	[sflag:s15] =	ssyncset.done $0x0  }
0x95: {  	[sflag:s15] =	ssyncadd.s32 $0xFFFFFFFF  }
0x96: {  	s16 =	sld [smem:$0x10];
	(tm) =	ssettm $0x1  }
0x97: {  	s17 =	sld [smem:$0x3FFB];
	_ =	sdelay $0x3  }
0x98: {  	_ =	strace s17  }
0x99: {  	s3 =	sld [smem:$0x3FFC];
	_ =	sdelay $0x3  }
0x9a: {  	_ =	strace s3  }
0x9b: {  	s3 =	sld [smem:$0x3FFD];
	_ =	sdelay $0x3  }
0x9c: {  	_ =	strace s3  }
0x9d: {  	_ =	strace $0x8FFFFFFF  }
0x9e: {  	s18 =	sld [smem:$0x3FDB];
	_ =	sdelay $0x1  }
0x9f: {  	s19 =	simm.s32 $_scs_section_size  }
0xa0: {  	s5 =	simm.s32 $_size__tile_overlayer_lowered;
	s6 =	simm.s32 $_tile_overlayer_lowered  }
0xa1: {  	s22 =	simm.s32 $0x1BFF;
	s21 =	sshll.u32 s6, $0x1;
	s3 =	sadd.s32 s19, s18  }
0xa2: {  	s7 =	simm.s32 $0x0;
	s20 =	sshll.u32 s5, $0x1;
	s5 =	sadd.s32 s21, s3  }
0xa3: {  	[timem:s7], [sflag:s22] =	dma.local [hbm:s5], s20  }
0xa4: {  	_ =	swait.ge [sflag:s22], s20  }
0xa5: {  	s4 =	ssub.s32 $0x0, s20;
	[sflag:s22] =	ssyncset.done $0x0  }
0xa6: {  	[sflag:s22] =	ssyncadd.s32 s4;
	_ =	sdelay $0x1  }
0xa7: {  	s23 =	simm.s32 $0x1B8B  }
0xa8: {  	_ =	swait.ge [sflag:s23], $0x1  }
0xa9: {  	[sflag:s23] =	ssyncset.done $0x0  }
0xaa: {  	s25 =	simm.s32 $0x1B8E;
	s24 =	sld [smem:$0x3FFE];
	[sflag:s23] =	ssyncadd.s32 $0xFFFFFFFF  }
0xab: {  	s26 =	simm.s32 $execute0_lowered;
	[smem:$0x3FD2] =	sst s25  }
0xac: {  	s5 =	sshll.u32 s26, $0x1;
	_ =	strace $0x80000046;
	[dreg:$0x1] =	wrdreg $0xFFFFFFFF  }
0xad: {  	s28 =	simm.s32 $_size_execute0_lowered;
	s3 =	sadd.s32 s3, s5;
	[dreg:$0x0] =	wrdreg $0x0  }
0xae: {  	s5 =	sshll.u32 s28, $0x1;
	[dreg:$0x2] =	wrdreg s3  }
0xaf: {  	[dreg:$0x3] =	wrdreg s5  }
0xb0: {  	[dreg:$0x4] =	wrdreg $0xC0  }
0xb1: {  	_ =	task [dreg:s7], $0x5FFFF  }
0xb2: {  	[dreg:$0x1] =	wrdreg $0xFFFFFFFF  }
0xb3: {  	[dreg:$0x0] =	wrdreg $0x60  }
0xb4: {  	[dreg:$0x2] =	wrdreg s24  }
0xb5: {  	[dreg:$0x3] =	wrdreg s16  }
0xb6: {  	[dreg:$0x4] =	wrdreg $0x9  }
0xb7: {  	_ =	task.clear_ibuf [dreg:s7], $0x5FFFF;
	_ =	strace $0x90000046  }
0xb8: {  	s29 =	simm.s32 $0x9;
	_ =	strace $0x80000048  }
0xb9: {  	_ =	swait.ge [sflag:s29], $0x1  }
0xba: {  	[sflag:s29] =	ssyncadd.s32 $0xFFFFFFFF  }
0xbb: {  	_ =	strace $0x90000048  }
0xbc: {  	_ =	sfence  }
0xbd: {  	s30 =	sld [smem:$0x0];
	_ =	sdelay $0x2  }
0xbe: {  	s31 =	sshll.u32 s1, $0xD;
	s1 =	sshrl.u32 s1, $0x2  }
0xbf: {  	s3 =	sand.u32 $0x4000, s31;
	s1 =	sadd.s32 s1, s30  }
0xc0: {  	s0 =	sor.u32 s3, s0;
	s1 =	sshll.u32 s1, $0x11  }
0xc1: {  	s0 =	sor.u32 s1, s0  }
0xc2: {  	s0 =	sadd.s32 $0x8F2B, s0  }
0xc3: {  	[sflag:s0] =	ssyncadd.remote.s32 $0x1  }
0xc4: {  	_ =	sfence.sel $0xFFFF  }
0xc5: {  	[dreg:$0x0] =	wrdreg $0xFFFFFFFF;
	(pc) =	sbr.abs _section_cstart, $3  }
0xc6: {  	[dreg:$0x1] =	wrdreg $0xFFFFFFFF  }
0xc7: {  	_ =	task.clear_ibuf [dreg:s7], $0x2FFFF;
	_ =	strace $0x9FFFFFFF  }
0xc8: {  	(tm) =	ssettm $0x7FFFFFFF  }
0xc9: {  	_ =	shalt  }
tec
execute0_lowered:
.L_overlay_start_1:
0x0: {  	(tag) =	ssettag $0x1  }
0x1: {  	s8 =	rddreg [dreg:$0x0]  }
0x2: {  	s2 =	rddreg [dreg:$0x1]  }
0x3: {  	s0 =	rddreg [dreg:$0x2];
	s3 =	simm.s32 $0x0;
	s4 =	srdreg.scid  }
0x4: {  	s1 =	stileid.u32;
	s17 =	simm.s32 $0x1180;
	s18 =	simm.s32 $0x2180  }
0x5: {  	s19 =	simm.s32 $0x3180;
	s20 =	simm.s32 $0x4180;
	s21 =	simm.s32 $0x5180  }
0x6: {  	s23 =	simm.s32 $0x6180;
	s24 =	simm.s32 $0x0;
	[smem:$0x7FF] =	sst s3  }
0x7: {  	s11 =	sand.u32 $0x1, s4;
	s4 =	sadd.s32 $0x203E00, s8;
	s5 =	sadd.s32 $0x283E00, s8  }
0x8: {  	s26 =	sshll.u32 s1, $0x1;
	s6 =	sadd.s32 $0x303E00, s8;
	s7 =	sadd.s32 $0x383E00, s8  }
0x9: {  	s22 =	sshrl.u32 s1, $0x2;
	s29 =	sshll.u32 s1, $0x12;
	s15 =	sshll.u32 s1, $0x9  }
0xa: {  	_ =	strace $0x80000047;
	s9 =	sor.u32 s11, s26;
	s13 =	ssub.s32 $0x2, s11  }
0xb: {  	s30 =	sshll.u32 s11, $0x11;
	s16 =	sshll.u32 s11, $0x8;
	v0 =	vmov s22;
	s22 =	simm.s32 $0x1  }
0xc: {  	s10 =	sshll.u32 s9, $0x5;
	s12 =	sshll.u32 s9, $0x9;
	s9 =	sshll.u32 s9, $0x7  }
0xd: {  	s28 =	sshrl.u32 s13, $0x1;
	s31 =	sor.u32 s16, s15;
	s15 =	simm.s32 $0x1000  }
0xe: {  	s16 =	simm.s32 $0x1100;
	s10 =	sadd.s32 s10, s8;
	s12 =	sadd.s32 s12, s8  }
0xf: {  	s14 =	sadd.s32 s9, s8;
	s13 =	ssub.s32 s13, s28;
	s8 =	sadd.s32 $0x3E00, s12  }
0x10: {  	v1 =	vlaneseq.u32;
	s9 =	sadd.s32 $0x7E00, s10;
	s10 =	sadd.s32 $0x8200, s14;
	s11 =	smax.u32 s13, $0x1  }
0x11: {  	v2 =	vimm.f32 $0.0e+00;
	v1 =	vmul.u32 $0x20, v1;
	s12 =	sor.u32 s30, s29;
	s13 =	sand.u32 $0x700, s31;
	s14 =	simm.s32 $0x2  }
.LBB2_1:
0x12: {  	[tilespmem:s3], [sflag:$0x2] =	stream.linear.gather [hbm4b:s8+s3], $0x1000, $0x38;
	[tilespmem:$0x6580] =	vst v63  }
0x13: {  	_ =	swait.ge [sflag:s14], $0x1000  }
0x14: {  	[sflag:s14] =	ssyncset.done $0x0  }
0x15: {  	[sflag:s14] =	ssyncadd.s32 $0xFFFFF000  }
0x16: {  	[tilespmem:s15], [sflag:$0x2] =	stream.linear.gather [hbm4b:s9+s3], $0x100, $0x38;
	[tilespmem:$0x6580] =	vst v63  }
0x17: {  	_ =	swait.ge [sflag:s14], $0x100  }
0x18: {  	[sflag:s14] =	ssyncset.done $0x0  }
0x19: {  	v3 =	vmov s3;
	[sflag:s14] =	ssyncadd.s32 $0xFFFFFF00  }
0x1a: {  	[tilespmem:s16], [sflag:$0x2] =	stream.linear.gather [hbm4b:s2+s3], $0x80, $0x38;
	[tilespmem:$0x6580] =	vst v63  }
0x1b: {  	_ =	swait.ge [sflag:s14], $0x80  }
0x1c: {  	[sflag:s14] =	ssyncset.done $0x0  }
0x1d: {  	[sflag:s14] =	ssyncadd.s32 $0xFFFFFF80  }
0x1e: {  	v3 =	vld.idx.msk [tilespmem:v3+s15+$0x0], $0xffff  }
0x1f: {  	v4 =	vld [tilespmem:s3+$0x0];
	_ =	sdelay $0x3  }
0x20: {  	v3 =	vxor.u32 $0xFFFFFFFF, v3  }
0x21: {  	s25 =	simm.s32 $0x1;
	v3 =	vadd.s32 v3, v4  }
0x22: {  	v4 =	vmov s25;
	vm0 =	vgt.s32 v3, $0x0  }
0x23: {  	v3 =	vnsel vm0, $0x0, v3  }
0x24: {  	v3 =	vadd.s32 s12, v3  }
0x25: {  	v3 =	vadd.s32 v1, v3  }
0x26: {  	[tilespmem:s17+$0x0] =	vst v3  }
0x27: {  	s25 =	simm.s32 $0x10;
	v3 =	vld.idx.msk [tilespmem:v4+s15+$0x0], $0xffff  }
0x28: {  	v4 =	vld [tilespmem:s25+$0x0];
	_ =	sdelay $0x3  }
0x29: {  	v3 =	vxor.u32 $0xFFFFFFFF, v3  }
0x2a: {  	s26 =	simm.s32 $0x2;
	v4 =	vadd.s32 v3, v4  }
0x2b: {  	s29 =	simm.s32 $0x3;
	s28 =	smov.u32 s12;
	v3 =	vmov s26;
	s26 =	simm.s32 $0x1180;
	vm0 =	vgt.s32 v4, $0x0  }
.LBB2_2:
0x2c: {  	p0 =	sne.s32 s29, $0xFF;
	v4 =	vnsel vm0, $0x0, v4;
	s28 =	sadd.s32 $0x200, s28  }
0x2d: {  	v4 =	vadd.s32 s28, v4  }
0x2e: {  	s26 =	sadd.s32 $0x10, s26;
	v4 =	vadd.s32 v1, v4  }
0x2f: {  	[tilespmem:s26+$0x0] =	vst v4  }
0x30: {  	v3 =	vld.idx.msk [tilespmem:v3+s15+$0x0], $0xffff  }
0x31: {  	s25 =	sadd.s32 $0x10, s25  }
0x32: {  	v4 =	vld [tilespmem:s25+$0x0];
	_ =	sdelay $0x1  }
.Ltmp0:
0x33: {  	(pc) =	sbr.rel @p0 .LBB2_2-.Ltmp0, $4  }
0x34: {  	_ = 	snop  }
0x35: {  	v3 =	vxor.u32 $0xFFFFFFFF, v3  }
0x36: {  	v4 =	vadd.s32 v3, v4  }
0x37: {  	v3 =	vmov s29;
	s29 =	sadd.s32 $0x1, s29;
	vm0 =	vgt.s32 v4, $0x0  }
0x38: {  	v4 =	vnsel vm0, $0x0, v4;
	s28 =	sadd.s32 $0x200, s28  }
0x39: {  	v4 =	vadd.s32 s28, v4  }
0x3a: {  	s26 =	sadd.s32 $0x10, s26;
	v4 =	vadd.s32 v1, v4  }
0x3b: {  	[tilespmem:s26+$0x0] =	vst v4  }
0x3c: {  	s25 =	sadd.s32 $0x10, s25;
	v3 =	vld.idx.msk [tilespmem:v3+s15+$0x0], $0xffff  }
0x3d: {  	v4 =	vld [tilespmem:s25+$0x0];
	_ =	sdelay $0x3  }
0x3e: {  	v3 =	vxor.u32 $0xFFFFFFFF, v3  }
0x3f: {  	v3 =	vadd.s32 v3, v4  }
0x40: {  	vm14 =	vgt.s32 v3, $0x0  }
0x41: {  	s28 =	sadd.s32 $0x200, s28;
	v3 =	vnsel vm14, $0x0, v3  }
0x42: {  	v3 =	vadd.s32 s28, v3  }
0x43: {  	s29 =	sadd.s32 $0x10, s26;
	v3 =	vadd.s32 v1, v3  }
0x44: {  	[tilespmem:s29+$0x0] =	vst v3  }
0x45: {  	[tilespmem:s18], [sflag:$0x1] =	stream.indirect.gather [hbm4b:s4+s15], $0x1, s17, s15, $0xb8;
	[tilespmem:$0x6580] =	vst v63  }
0x46: {  	_ = 	snop  }
0x47: {  	[tilespmem:s19], [sflag:$0x1] =	stream.indirect.gather [hbm4b:s5+s15], $0x1, s17, s15, $0xb8;
	[tilespmem:$0x6580] =	vst v63  }
0x48: {  	_ = 	snop  }
0x49: {  	[tilespmem:s20], [sflag:$0x1] =	stream.indirect.gather [hbm4b:s6+s15], $0x1, s17, s15, $0xb8;
	[tilespmem:$0x6580] =	vst v63  }
0x4a: {  	_ = 	snop  }
0x4b: {  	[tilespmem:s21], [sflag:$0x1] =	stream.indirect.gather [hbm4b:s7+s15], $0x1, s17, s15, $0xb8;
	[tilespmem:$0x6580] =	vst v63  }
0x4c: {  	_ =	swait.ge [sflag:s22], $0x1000  }
0x4d: {  	[sflag:s22] =	ssyncset.done $0x0  }
0x4e: {  	[sflag:s22] =	ssyncadd.s32 $0xFFFFF000  }
0x4f: {  	_ =	swait.ge [sflag:s22], $0x1000  }
0x50: {  	[sflag:s22] =	ssyncset.done $0x0  }
0x51: {  	[sflag:s22] =	ssyncadd.s32 $0xFFFFF000  }
0x52: {  	_ =	swait.ge [sflag:s22], $0x1000  }
0x53: {  	[sflag:s22] =	ssyncset.done $0x0  }
0x54: {  	[sflag:s22] =	ssyncadd.s32 $0xFFFFF000  }
0x55: {  	_ =	swait.ge [sflag:s22], $0x1000  }
0x56: {  	[sflag:s22] =	ssyncset.done $0x0  }
0x57: {  	[sflag:s22] =	ssyncadd.s32 $0xFFFFF000  }
0x58: {  	s30 =	simm.s32 $0x0;
	v3 =	vld.idx.msk [tilespmem:v0+s16+$0x0], $0xffff  }
0x59: {  	v4 =	vld [tilespmem:s30+$0x5180]  }
0x5a: {  	v5 =	vld [tilespmem:s30+$0x0]  }
0x5b: {  	v7 =	vld [tilespmem:s30+$0x4180]  }
0x5c: {  	v9 =	vld [tilespmem:s30+$0x2180]  }
0x5d: {  	v11 =	vld [tilespmem:s30+$0x3180]  }
0x5e: {  	s31 =	simm.s32 $0x10;
	v8 =	vmov s13;
	v4 =	vsub.f32 $0.0e+00, v4  }
0x5f: {  	v6 =	vld [tilespmem:s31+$0x5180];
	vm15 =	vgt.s32 v5, $0xFFFFFFFF;
	vm1 =	vlt.s32 v8, v3  }
0x60: {  	v10 =	vld [tilespmem:s31+$0x0];
	v13 =	vsel vm15, $0x3F800000, v2;
	v5 =	vsel vm1, $0x3F800000, v2;
	v4 =	vsel vm15, v7, v4  }
0x61: {  	v8 =	vld [tilespmem:s31+$0x4180];
	v7 =	vimm.f32 $0.0e+00;
	v9 =	vmul.f32 v13, v9;
	v15 =	vmul.f32 v4, v5  }
0x62: {  	v12 =	vld [tilespmem:s31+$0x2180];
	v14 =	vmul.f32 v13, v11;
	v4 =	vadd.f32 v13, v7;
	v5 =	vadd.f32 v5, v7  }
0x63: {  	s26 =	sadd.s32 $0x1, s13;
	s25 =	simm.s32 $0x80;
	v13 =	vld [tilespmem:s31+$0x3180];
	v11 =	vadd.f32 v9, v7;
	v9 =	vadd.f32 v15, v7  }
.LBB2_4:
0x64: {  	s28 =	sshra.s32 s25, $0x2;
	p0 =	sne.s32 s25, $0x3FC0;
	s25 =	sadd.s32 $0x40, s25;
	v15 =	vsub.f32 $0.0e+00, v6;
	v16 =	vmov s26;
	v7 =	vadd.f32 v14, v7  }
.Ltmp1:
0x65: {  	v6 =	vld [tilespmem:s28+$0x5180];
	vm0 =	vgt.s32 v10, $0xFFFFFFFF;
	vm1 =	vlt.s32 v16, v3;
	(pc) =	sbr.rel @p0 .LBB2_4-.Ltmp1, $4  }
0x66: {  	v10 =	vld [tilespmem:s28+$0x0];
	v14 =	vsel vm0, $0x3F800000, v2;
	v15 =	vsel vm0, v8, v15;
	v16 =	vsel vm1, $0x3F800000, v2  }
0x67: {  	v8 =	vld [tilespmem:s28+$0x4180];
	v17 =	vmul.f32 v14, v12;
	v15 =	vmul.f32 v15, v16;
	v4 =	vadd.f32 v14, v4  }
0x68: {  	v5 =	vadd.f32 v16, v5;
	v12 =	vld [tilespmem:s28+$0x2180];
	v14 =	vmul.f32 v14, v13  }
0x69: {  	s26 =	sadd.s32 $0x1, s26;
	v13 =	vld [tilespmem:s28+$0x3180];
	v11 =	vadd.f32 v17, v11;
	v9 =	vadd.f32 v15, v9  }
0x6a: {  	_ = 	snop  }
0x6b: {  	v6 =	vsub.f32 $0.0e+00, v6;
	v60 =	vmov s26;
	vm0 =	vgt.s32 v10, $0xFFFFFFFF  }
0x6c: {  	vm1 =	vlt.s32 v60, v3;
	v15 =	vsel vm0, $0x3F800000, v2  }
0x6d: {  	v6 =	vsel vm0, v8, v6;
	v61 =	vsel vm1, $0x3F800000, v2;
	v3 =	vmul.f32 v15, v12  }
0x6e: {  	v6 =	vmul.f32 v6, v61;
	v63 =	vadd.f32 v61, v5  }
0x6f: {  	v7 =	vadd.f32 v14, v7;
	v62 =	vmul.f32 v15, v13;
	v3 =	vadd.f32 v3, v11  }
0x70: {  	v6 =	vadd.f32 v6, v9;
	[tilespmem:$0x6380] =	vst v63  }
0x71: {  	v7 =	vadd.f32 v62, v7;
	[tilespmem:$0x6180] =	vst v3  }
0x72: {  	s24 =	sadd.s32 $0x1, s24;
	v3 =	vadd.f32 v15, v4;
	[tilespmem:$0x6280] =	vst v6  }
0x73: {  	p0 =	sne.s32 s24, s11;
	[tilespmem:$0x6200] =	vst v7  }
.Ltmp2:
0x74: {  	[tilespmem:$0x6300] =	vst v3;
	(pc) =	sbr.rel @p0 .LBB2_1-.Ltmp2, $4  }
0x75: {  	[hbm4b:s10+s3] =	stream.linear.scatter [tilespmem:s23], [sflag:$0x2], $0x280, $0x38;
	[tilespmem:$0x6580] =	vst v63  }
0x76: {  	_ =	swait.ge [sflag:s14], $0x280  }
0x77: {  	[sflag:s14] =	ssyncset.done $0x0  }
0x78: {  	[sflag:s14] =	ssyncadd.s32 $0xFFFFFD80  }
0x79: {  	_ =	sfence.sel $0x180000  }
0x7a: {  	[bflag:$0x0] =	sbarrier.arrive $0xFFFF  }
0x7b: {  	p0 =	sne.s32 s1, $0x0;
	_ =	strace $0x90000047  }
0x7c: {  	s0 =	sadd.s32 @!p0 $0x100000, s0;
	[bflag:$0x2] =	sbarrier.arrive $0xFFFF  }
0x7d: {  	[sflag:s0] =	ssyncadd.tile.s32 @!p0 $0x1;
	_ =	shalt  }
.Lfunc_end2:
_tile_overlayer_lowered:
.L_overlay_start_2:
0x7e: {  	(tag) =	ssettag $0x2  }
0x7f: {  	s0 =	rddreg [dreg:$0x0];
	s2 =	stileid.u32  }
0x80: {  	s1 =	rddreg [dreg:$0x1];
	p0 =	sne.s32 s2, $0x0  }
0x81: {  	s3 =	rddreg [dreg:$0x2];
	[bflag:$0x3] =	sbarrier.arrive $0xFFFF;
	s2 =	simm.s32 @!p0 $0x1C02  }
0x82: {  	[timem:s3], [sflag:s2] =	dma.local @!p0 [hbm:s0], s1  }
0x83: {  	s0 =	simm.s32 @!p0 $0x2  }
0x84: {  	_ =	swait.ge @!p0 [sflag:s0], s1  }
0x85: {  	s1 =	ssub.s32 @!p0 $0x0, s1;
	[sflag:s0] =	ssyncset.done @!p0 $0x0  }
0x86: {  	[sflag:s0] =	ssyncadd.s32 @!p0 s1  }
0x87: {  	[bflag:$0x3] =	sbarrier.arrive $0xFFFF  }
0x88: {  	_ =	shalt  }

</sc_bundles>
